<compile_context>
chip_gen: v7x
topology: tpu7x:2x2x1
jax: 0.10.2.dev20260603
libtpu: 0.0.44.dev20260713+nightly
codegen_flags: <defaults>
</compile_context>

<pallas_src>
import functools
import jax
import jax.numpy as jnp
from jax import lax
from jax.experimental import pallas as pl
from jax.experimental.pallas import tpu as pltpu
from jax.experimental.pallas import tpu_sc as plsc

_L = 16
_NSUB = 16


def _sc_body(src_hbm, dst_hbm, out_hbm, src_v, dst_v, red_v, all_v, out_v,
             max_shared, min_shared):
    cid = lax.axis_index("c")
    sid = lax.axis_index("s")
    n = src_hbm.shape[0]
    chunk = n // _NSUB
    base = sid * chunk

    pltpu.sync_copy(src_hbm.at[pl.ds(base, chunk)], src_v)
    pltpu.sync_copy(dst_hbm.at[pl.ds(base, chunk)], dst_v)

    def max_body(i, acc):
        return jnp.maximum(acc, src_v[pl.ds(i * _L, _L)])

    init_max = jnp.full((_L,), jnp.iinfo(jnp.int32).min, jnp.int32)
    maxv = lax.fori_loop(0, chunk // _L, max_body, init_max)
    red_v[...] = maxv
    pltpu.sync_copy(red_v, max_shared.at[sid])
    plsc.subcore_barrier()
    pltpu.sync_copy(max_shared, all_v)

    def comb_max(i, acc):
        return jnp.maximum(acc, all_v[i])

    gmaxv = lax.fori_loop(0, _NSUB, comb_max,
                          jnp.full((_L,), jnp.iinfo(jnp.int32).min, jnp.int32))
    gmax = gmaxv[0]
    for j in range(1, _L):
        gmax = jnp.maximum(gmax, gmaxv[j])
    mult = gmax + 1

    def min_body(i, acc):
        s = src_v[pl.ds(i * _L, _L)]
        d = dst_v[pl.ds(i * _L, _L)]
        kf = s * mult + d
        kb = d * mult + s
        return jnp.minimum(acc, jnp.minimum(kf, kb))

    init_min = jnp.full((_L,), jnp.iinfo(jnp.int32).max, jnp.int32)
    minv = lax.fori_loop(0, chunk // _L, min_body, init_min)
    red_v[...] = minv
    pltpu.sync_copy(red_v, min_shared.at[sid])
    plsc.subcore_barrier()

    @pl.when(jnp.logical_and(cid == 0, sid == 0))
    def _():
        pltpu.sync_copy(min_shared, all_v)

        def comb_min(i, acc):
            return jnp.minimum(acc, all_v[i])

        gminv = lax.fori_loop(0, _NSUB, comb_min,
                              jnp.full((_L,), jnp.iinfo(jnp.int32).max,
                                       jnp.int32))
        min_key = gminv[0]
        for j in range(1, _L):
            min_key = jnp.minimum(min_key, gminv[j])
        zero_term = 0.0 * (min_key - min_key).astype(jnp.float32)
        row = jnp.zeros((_L,), jnp.float32) + zero_term

        def out_body(i, carry):
            out_v[pl.ds(i * _L, _L)] = row
            return carry

        lax.fori_loop(0, out_v.shape[0] // _L, out_body, 0)
        pltpu.sync_copy(out_v, out_hbm)


def kernel(y, edge_emb, edge_index):
    if y.ndim == 2:
        y = y[..., None]
    seq_len, batch_size = y.shape[0], y.shape[1]
    emsize = edge_emb.shape[1]
    total = seq_len * batch_size * emsize
    n_edges = edge_index.shape[1]
    chunk = n_edges // _NSUB

    mesh = plsc.VectorSubcoreMesh(core_axis_name="c", subcore_axis_name="s")
    kern = functools.partial(
        pl.kernel,
        mesh=mesh,
        out_type=jax.ShapeDtypeStruct((total,), jnp.float32),
        scratch_types=[
            pltpu.VMEM((chunk,), jnp.int32),
            pltpu.VMEM((chunk,), jnp.int32),
            pltpu.VMEM((_L,), jnp.int32),
            pltpu.VMEM((_NSUB, _L), jnp.int32),
            pltpu.VMEM((total,), jnp.float32),
            pltpu.VMEM_SHARED((_NSUB, _L), jnp.int32),
            pltpu.VMEM_SHARED((_NSUB, _L), jnp.int32),
        ],
    )(_sc_body)
    out = kern(edge_index[0], edge_index[1])
    return out.reshape(seq_len, batch_size, emsize)

# --- scband reference (transcript-rebuilt; emitter-appended) ---
"""Pipeline reference for scband-tsptour-encoder-54357106098198 (READ-ONLY COPY).

The authoritative reference and input builder live on the scoring server;
editing this copy changes nothing except your own understanding.
"""

import jax, jax.numpy as jnp
import numpy as np


def setup_inputs(seed: int = 0) -> dict:
    key = jax.random.key(seed)
    k1, k2, k3 = jax.random.split(key, 3)
    y = jax.random.randint(k1, (2, 4, 100), 0, 100)
    edge_emb = jax.random.normal(k2, (160000, 128), dtype=jnp.float32)
    edge_index = jax.random.randint(k3, (2, 160000), 0, 10000)
    return {"y": y, "edge_emb": edge_emb, "edge_index": edge_index}


def reference(y, edge_emb, edge_index):
    # Faithful translation of TSPTourEncoder.forward with node_offset_map=None
    # (the only value expressible through tensor inputs; it defaults to None).
    # The module still builds the bidirectional edge-key table and sorts it
    # (memory-bound gather/sort traffic), but because node_offset_map is None
    # no tour edge keys are ever collected, so every tour embedding is the
    # zero vector of size emsize.
    if y.ndim == 2:
        y = y[..., None]
    seq_len, batch_size, num_nodes = y.shape
    emsize = edge_emb.shape[1]

    src = edge_index[0]
    dst = edge_index[1]
    edge_pairs = jnp.stack([src, dst], axis=1)
    edge_pairs_flipped = jnp.stack([dst, src], axis=1)
    all_edge_pairs = jnp.concatenate([edge_pairs, edge_pairs_flipped], axis=0)
    n_edges = src.shape[0]
    all_edge_indices = jnp.concatenate([jnp.arange(n_edges), jnp.arange(n_edges)], axis=0)
    edge_keys = all_edge_pairs[:, 0] * (src.max() + 1) + all_edge_pairs[:, 1]
    sorted_indices = jnp.argsort(edge_keys)
    sorted_edge_keys = edge_keys[sorted_indices]
    sorted_edge_indices = all_edge_indices[sorted_indices]

    # node_offset_map is None => tour_edge_keys stays empty for every (pos, b)
    # => tour_embedding = zeros(emsize) for every position.
    tour_embeddings = jnp.zeros((seq_len, batch_size, emsize), dtype=jnp.float32)
    # keep the sorted key table alive in the graph (mirrors torch work; value-neutral)
    tour_embeddings = tour_embeddings + 0.0 * jnp.float32(sorted_edge_keys[0] - sorted_edge_keys[0]) + 0.0 * jnp.float32(sorted_edge_indices[0] - sorted_edge_indices[0])
    return tour_embeddings

if __name__ == "__main__":
    import jax
    _d = setup_inputs()
    print(jax.jit(kernel)(*tuple(_d.values())))

</pallas_src>

<mosaic_0001>
#map = affine_map<(d0, d1) -> (0)>
module attributes {stable_mosaic.version = 14 : i64} {
  func.func @_sc_body(%arg0: i32, %arg1: i32, %arg2: memref<160000xi32, #tpu.memory_space<hbm>>, %arg3: memref<160000xi32, #tpu.memory_space<hbm>>, %arg4: memref<1024xf32, #tpu.memory_space<hbm>>, %arg5: memref<10000xi32, #tpu.memory_space<vmem>>, %arg6: memref<10000xi32, #tpu.memory_space<vmem>>, %arg7: memref<16xi32, #tpu.memory_space<vmem>>, %arg8: memref<16x16xi32, #tpu.memory_space<vmem>>, %arg9: memref<1024xf32, #tpu.memory_space<vmem>>, %arg10: memref<16x16xi32, #tpu.memory_space<vmem_shared>>, %arg11: memref<16x16xi32, #tpu.memory_space<vmem_shared>>) attributes {dimension_semantics = [#tpu.dimension_semantics<core_parallel>, #tpu.dimension_semantics<subcore_parallel>], iteration_bounds = array<i64: 2, 16>, scalar_prefetch = 0 : i64, scratch_operands = 7 : i64, tpu.core_type = #tpu.core_type<sc_vector_subcore>, window_params = [{transform_indices = #map}, {transform_indices = #map}, {transform_indices = #map}]} {
    %mul3A = arith.constant 10000 : i32
    %mul3A_0 = arith.muli %arg1, %mul3A : i32
    "tpu.region"() ({
      %run_scoped3A = tpu.sem_alloc : memref<!tpu.dma_semaphore, #tpu.memory_space<semaphore_mem>>
      %dma_start3A = tpu.memref_slice %arg2[%mul3A_0] : memref<160000xi32, #tpu.memory_space<hbm>> -> memref<10000xi32, #tpu.memory_space<hbm>>
      %dma_start3A_80 = tpu.memref_slice %arg2[%mul3A_0] : memref<160000xi32, #tpu.memory_space<hbm>> -> memref<10000xi32, #tpu.memory_space<hbm>>
      tpu.enqueue_dma source(%dma_start3A_80 : memref<10000xi32, #tpu.memory_space<hbm>>) target(%arg5 : memref<10000xi32, #tpu.memory_space<vmem>>) target_semaphore(%run_scoped3A : memref<!tpu.dma_semaphore, #tpu.memory_space<semaphore_mem>>)
      %dma_wait3A = tpu.memref_slice %arg2[%mul3A_0] : memref<160000xi32, #tpu.memory_space<hbm>> -> memref<10000xi32, #tpu.memory_space<hbm>>
      %dma_wait3A_81 = tpu.memref_slice %arg2[%mul3A_0] : memref<160000xi32, #tpu.memory_space<hbm>> -> memref<10000xi32, #tpu.memory_space<hbm>>
      tpu.wait_dma2 semaphore(%run_scoped3A : memref<!tpu.dma_semaphore, #tpu.memory_space<semaphore_mem>>) src(%dma_wait3A_81 : memref<10000xi32, #tpu.memory_space<hbm>>) dst(%arg5 : memref<10000xi32, #tpu.memory_space<vmem>>)
      tpu.yield
    }) : () -> ()
    "tpu.region"() ({
      %run_scoped3A = tpu.sem_alloc : memref<!tpu.dma_semaphore, #tpu.memory_space<semaphore_mem>>
      %dma_start3A = tpu.memref_slice %arg3[%mul3A_0] : memref<160000xi32, #tpu.memory_space<hbm>> -> memref<10000xi32, #tpu.memory_space<hbm>>
      %dma_start3A_80 = tpu.memref_slice %arg3[%mul3A_0] : memref<160000xi32, #tpu.memory_space<hbm>> -> memref<10000xi32, #tpu.memory_space<hbm>>
      tpu.enqueue_dma source(%dma_start3A_80 : memref<10000xi32, #tpu.memory_space<hbm>>) target(%arg6 : memref<10000xi32, #tpu.memory_space<vmem>>) target_semaphore(%run_scoped3A : memref<!tpu.dma_semaphore, #tpu.memory_space<semaphore_mem>>)
      %dma_wait3A = tpu.memref_slice %arg3[%mul3A_0] : memref<160000xi32, #tpu.memory_space<hbm>> -> memref<10000xi32, #tpu.memory_space<hbm>>
      %dma_wait3A_81 = tpu.memref_slice %arg3[%mul3A_0] : memref<160000xi32, #tpu.memory_space<hbm>> -> memref<10000xi32, #tpu.memory_space<hbm>>
      tpu.wait_dma2 semaphore(%run_scoped3A : memref<!tpu.dma_semaphore, #tpu.memory_space<semaphore_mem>>) src(%dma_wait3A_81 : memref<10000xi32, #tpu.memory_space<hbm>>) dst(%arg6 : memref<10000xi32, #tpu.memory_space<vmem>>)
      tpu.yield
    }) : () -> ()
    %broadcast_in_dim3A = arith.constant -2147483648 : i32
    %broadcast_in_dim3A_1 = vector.broadcast %broadcast_in_dim3A : i32 to vector<16xi32>
    %scan3A = arith.constant 0 : i32
    %scan3A_2 = arith.constant 625 : i32
    %scan3A_3 = arith.addi %scan3A, %scan3A_2 : i32
    %scan3A_4 = arith.constant 1 : i32
    %scan3A_5 = scf.for %scan3A_80 = %scan3A to %scan3A_3 step %scan3A_4 iter_args(%scan3A_81 = %broadcast_in_dim3A_1) -> (vector<16xi32>)  : i32 {
      %mul3A_82 = arith.constant 16 : i32
      %mul3A_83 = arith.muli %scan3A_80, %mul3A_82 : i32
      %get3A = arith.index_cast %mul3A_83 : i32 to index
      %get3A_84 = tpu.vector_load %arg5[%get3A] {strides = array<i32>} : memref<10000xi32, #tpu.memory_space<vmem>>, vector<16xi32>,
      %get3A_85 = vector.shape_cast %get3A_84 : vector<16xi32> to vector<16xi32>
      %max3A_86 = arith.maxsi %scan3A_81, %get3A_85 : vector<16xi32>
      scf.yield %max3A_86 : vector<16xi32>
    }
    %scan3A_6 = arith.constant 625 : i32
    %swap3A = arith.constant 0 : index
    %swap3A_7 = tpu.vector_load %arg7[%swap3A] {strides = array<i32>} : memref<16xi32, #tpu.memory_space<vmem>>, vector<16xi32>,
    %swap3A_8 = vector.shape_cast %swap3A_7 : vector<16xi32> to vector<16xi32>
    %swap3A_9 = vector.shape_cast %scan3A_5 : vector<16xi32> to vector<16xi32>
    tpu.vector_store %arg7[%swap3A], %swap3A_9 {strides = array<i32>} : memref<16xi32, #tpu.memory_space<vmem>>, vector<16xi32>,
    "tpu.region"() ({
      %run_scoped3A = tpu.sem_alloc : memref<!tpu.dma_semaphore, #tpu.memory_space<semaphore_mem>>
      %dma_start3A = arith.constant 0 : i32
      %dma_start3A_80 = tpu.memref_slice %arg10[%arg1, %dma_start3A] : memref<16x16xi32, #tpu.memory_space<vmem_shared>> -> memref<1x16xi32, #tpu.memory_space<vmem_shared>>
      %dma_start3A_81 = tpu.memref_squeeze %dma_start3A_80 : memref<1x16xi32, #tpu.memory_space<vmem_shared>> -> memref<16xi32, #tpu.memory_space<vmem_shared>>
      %dma_start3A_82 = arith.constant 0 : i32
      %dma_start3A_83 = tpu.memref_slice %arg10[%arg1, %dma_start3A_82] : memref<16x16xi32, #tpu.memory_space<vmem_shared>> -> memref<1x16xi32, #tpu.memory_space<vmem_shared>>
      %dma_start3A_84 = tpu.memref_squeeze %dma_start3A_83 : memref<1x16xi32, #tpu.memory_space<vmem_shared>> -> memref<16xi32, #tpu.memory_space<vmem_shared>>
      tpu.enqueue_dma source(%arg7 : memref<16xi32, #tpu.memory_space<vmem>>) target(%dma_start3A_84 : memref<16xi32, #tpu.memory_space<vmem_shared>>) target_semaphore(%run_scoped3A : memref<!tpu.dma_semaphore, #tpu.memory_space<semaphore_mem>>)
      %dma_wait3A = arith.constant 0 : i32
      %dma_wait3A_85 = tpu.memref_slice %arg10[%arg1, %dma_wait3A] : memref<16x16xi32, #tpu.memory_space<vmem_shared>> -> memref<1x16xi32, #tpu.memory_space<vmem_shared>>
      %dma_wait3A_86 = tpu.memref_squeeze %dma_wait3A_85 : memref<1x16xi32, #tpu.memory_space<vmem_shared>> -> memref<16xi32, #tpu.memory_space<vmem_shared>>
      %dma_wait3A_87 = arith.constant 0 : i32
      %dma_wait3A_88 = tpu.memref_slice %arg10[%arg1, %dma_wait3A_87] : memref<16x16xi32, #tpu.memory_space<vmem_shared>> -> memref<1x16xi32, #tpu.memory_space<vmem_shared>>
      %dma_wait3A_89 = tpu.memref_squeeze %dma_wait3A_88 : memref<1x16xi32, #tpu.memory_space<vmem_shared>> -> memref<16xi32, #tpu.memory_space<vmem_shared>>
      tpu.wait_dma2 semaphore(%run_scoped3A : memref<!tpu.dma_semaphore, #tpu.memory_space<semaphore_mem>>) src(%arg7 : memref<16xi32, #tpu.memory_space<vmem>>) dst(%dma_wait3A_89 : memref<16xi32, #tpu.memory_space<vmem_shared>>)
      tpu.yield
    }) : () -> ()
    %barrier3A = arith.constant 0 : index
    tpu.barrier barrier_id(%barrier3A)
    "tpu.region"() ({
      %run_scoped3A = tpu.sem_alloc : memref<!tpu.dma_semaphore, #tpu.memory_space<semaphore_mem>>
      tpu.enqueue_dma source(%arg10 : memref<16x16xi32, #tpu.memory_space<vmem_shared>>) target(%arg8 : memref<16x16xi32, #tpu.memory_space<vmem>>) target_semaphore(%run_scoped3A : memref<!tpu.dma_semaphore, #tpu.memory_space<semaphore_mem>>)
      tpu.wait_dma2 semaphore(%run_scoped3A : memref<!tpu.dma_semaphore, #tpu.memory_space<semaphore_mem>>) src(%arg10 : memref<16x16xi32, #tpu.memory_space<vmem_shared>>) dst(%arg8 : memref<16x16xi32, #tpu.memory_space<vmem>>)
      tpu.yield
    }) : () -> ()
    %broadcast_in_dim3A_10 = arith.constant -2147483648 : i32
    %broadcast_in_dim3A_11 = vector.broadcast %broadcast_in_dim3A_10 : i32 to vector<16xi32>
    %scan3A_12 = arith.constant 0 : i32
    %scan3A_13 = arith.constant 16 : i32
    %scan3A_14 = arith.addi %scan3A_12, %scan3A_13 : i32
    %scan3A_15 = arith.constant 1 : i32
    %scan3A_16 = scf.for %scan3A_80 = %scan3A_12 to %scan3A_14 step %scan3A_15 iter_args(%scan3A_81 = %broadcast_in_dim3A_11) -> (vector<16xi32>)  : i32 {
      %get3A = arith.index_cast %scan3A_80 : i32 to index
      %get3A_82 = arith.constant 0 : index
      %get3A_83 = tpu.vector_load %arg8[%get3A, %get3A_82] {strides = array<i32>} : memref<16x16xi32, #tpu.memory_space<vmem>>, vector<1x16xi32>,
      %get3A_84 = vector.shape_cast %get3A_83 : vector<1x16xi32> to vector<16xi32>
      %max3A_85 = arith.maxsi %scan3A_81, %get3A_84 : vector<16xi32>
      scf.yield %max3A_85 : vector<16xi32>
    }
    %scan3A_17 = arith.constant 16 : i32
    %slice3A = vector.extract_strided_slice %scan3A_16 {offsets = [0], sizes = [1], strides = [1]} : vector<16xi32> to vector<1xi32>
    %squeeze3A = vector.extract %slice3A[0] : i32 from vector<1xi32>
    %slice3A_18 = vector.extract_strided_slice %scan3A_16 {offsets = [1], sizes = [1], strides = [1]} : vector<16xi32> to vector<1xi32>
    %squeeze3A_19 = vector.extract %slice3A_18[0] : i32 from vector<1xi32>
    %max3A = arith.maxsi %squeeze3A, %squeeze3A_19 : i32
    %slice3A_20 = vector.extract_strided_slice %scan3A_16 {offsets = [2], sizes = [1], strides = [1]} : vector<16xi32> to vector<1xi32>
    %squeeze3A_21 = vector.extract %slice3A_20[0] : i32 from vector<1xi32>
    %max3A_22 = arith.maxsi %max3A, %squeeze3A_21 : i32
    %slice3A_23 = vector.extract_strided_slice %scan3A_16 {offsets = [3], sizes = [1], strides = [1]} : vector<16xi32> to vector<1xi32>
    %squeeze3A_24 = vector.extract %slice3A_23[0] : i32 from vector<1xi32>
    %max3A_25 = arith.maxsi %max3A_22, %squeeze3A_24 : i32
    %slice3A_26 = vector.extract_strided_slice %scan3A_16 {offsets = [4], sizes = [1], strides = [1]} : vector<16xi32> to vector<1xi32>
    %squeeze3A_27 = vector.extract %slice3A_26[0] : i32 from vector<1xi32>
    %max3A_28 = arith.maxsi %max3A_25, %squeeze3A_27 : i32
    %slice3A_29 = vector.extract_strided_slice %scan3A_16 {offsets = [5], sizes = [1], strides = [1]} : vector<16xi32> to vector<1xi32>
    %squeeze3A_30 = vector.extract %slice3A_29[0] : i32 from vector<1xi32>
    %max3A_31 = arith.maxsi %max3A_28, %squeeze3A_30 : i32
    %slice3A_32 = vector.extract_strided_slice %scan3A_16 {offsets = [6], sizes = [1], strides = [1]} : vector<16xi32> to vector<1xi32>
    %squeeze3A_33 = vector.extract %slice3A_32[0] : i32 from vector<1xi32>
    %max3A_34 = arith.maxsi %max3A_31, %squeeze3A_33 : i32
    %slice3A_35 = vector.extract_strided_slice %scan3A_16 {offsets = [7], sizes = [1], strides = [1]} : vector<16xi32> to vector<1xi32>
    %squeeze3A_36 = vector.extract %slice3A_35[0] : i32 from vector<1xi32>
    %max3A_37 = arith.maxsi %max3A_34, %squeeze3A_36 : i32
    %slice3A_38 = vector.extract_strided_slice %scan3A_16 {offsets = [8], sizes = [1], strides = [1]} : vector<16xi32> to vector<1xi32>
    %squeeze3A_39 = vector.extract %slice3A_38[0] : i32 from vector<1xi32>
    %max3A_40 = arith.maxsi %max3A_37, %squeeze3A_39 : i32
    %slice3A_41 = vector.extract_strided_slice %scan3A_16 {offsets = [9], sizes = [1], strides = [1]} : vector<16xi32> to vector<1xi32>
    %squeeze3A_42 = vector.extract %slice3A_41[0] : i32 from vector<1xi32>
    %max3A_43 = arith.maxsi %max3A_40, %squeeze3A_42 : i32
    %slice3A_44 = vector.extract_strided_slice %scan3A_16 {offsets = [10], sizes = [1], strides = [1]} : vector<16xi32> to vector<1xi32>
    %squeeze3A_45 = vector.extract %slice3A_44[0] : i32 from vector<1xi32>
    %max3A_46 = arith.maxsi %max3A_43, %squeeze3A_45 : i32
    %slice3A_47 = vector.extract_strided_slice %scan3A_16 {offsets = [11], sizes = [1], strides = [1]} : vector<16xi32> to vector<1xi32>
    %squeeze3A_48 = vector.extract %slice3A_47[0] : i32 from vector<1xi32>
    %max3A_49 = arith.maxsi %max3A_46, %squeeze3A_48 : i32
    %slice3A_50 = vector.extract_strided_slice %scan3A_16 {offsets = [12], sizes = [1], strides = [1]} : vector<16xi32> to vector<1xi32>
    %squeeze3A_51 = vector.extract %slice3A_50[0] : i32 from vector<1xi32>
    %max3A_52 = arith.maxsi %max3A_49, %squeeze3A_51 : i32
    %slice3A_53 = vector.extract_strided_slice %scan3A_16 {offsets = [13], sizes = [1], strides = [1]} : vector<16xi32> to vector<1xi32>
    %squeeze3A_54 = vector.extract %slice3A_53[0] : i32 from vector<1xi32>
    %max3A_55 = arith.maxsi %max3A_52, %squeeze3A_54 : i32
    %slice3A_56 = vector.extract_strided_slice %scan3A_16 {offsets = [14], sizes = [1], strides = [1]} : vector<16xi32> to vector<1xi32>
    %squeeze3A_57 = vector.extract %slice3A_56[0] : i32 from vector<1xi32>
    %max3A_58 = arith.maxsi %max3A_55, %squeeze3A_57 : i32
    %slice3A_59 = vector.extract_strided_slice %scan3A_16 {offsets = [15], sizes = [1], strides = [1]} : vector<16xi32> to vector<1xi32>
    %squeeze3A_60 = vector.extract %slice3A_59[0] : i32 from vector<1xi32>
    %max3A_61 = arith.maxsi %max3A_58, %squeeze3A_60 : i32
    %add3A = arith.constant 1 : i32
    %add3A_62 = arith.addi %max3A_61, %add3A : i32
    %broadcast_in_dim3A_63 = arith.constant 2147483647 : i32
    %broadcast_in_dim3A_64 = vector.broadcast %broadcast_in_dim3A_63 : i32 to vector<16xi32>
    %scan3A_65 = arith.constant 0 : i32
    %scan3A_66 = arith.constant 625 : i32
    %scan3A_67 = arith.addi %scan3A_65, %scan3A_66 : i32
    %scan3A_68 = arith.constant 1 : i32
    %scan3A_69 = scf.for %scan3A_80 = %scan3A_65 to %scan3A_67 step %scan3A_68 iter_args(%scan3A_81 = %broadcast_in_dim3A_64) -> (vector<16xi32>)  : i32 {
      %mul3A_82 = arith.constant 16 : i32
      %mul3A_83 = arith.muli %scan3A_80, %mul3A_82 : i32
      %get3A = arith.index_cast %mul3A_83 : i32 to index
      %get3A_84 = tpu.vector_load %arg5[%get3A] {strides = array<i32>} : memref<10000xi32, #tpu.memory_space<vmem>>, vector<16xi32>,
      %get3A_85 = vector.shape_cast %get3A_84 : vector<16xi32> to vector<16xi32>
      %mul3A_86 = arith.constant 16 : i32
      %mul3A_87 = arith.muli %scan3A_80, %mul3A_86 : i32
      %get3A_88 = arith.index_cast %mul3A_87 : i32 to index
      %get3A_89 = tpu.vector_load %arg6[%get3A_88] {strides = array<i32>} : memref<10000xi32, #tpu.memory_space<vmem>>, vector<16xi32>,
      %get3A_90 = vector.shape_cast %get3A_89 : vector<16xi32> to vector<16xi32>
      %mul3A_91 = vector.broadcast %add3A_62 : i32 to vector<16xi32>
      %mul3A_92 = arith.muli %get3A_85, %mul3A_91 : vector<16xi32>
      %add3A_93 = arith.addi %mul3A_92, %get3A_90 : vector<16xi32>
      %mul3A_94 = vector.broadcast %add3A_62 : i32 to vector<16xi32>
      %mul3A_95 = arith.muli %get3A_90, %mul3A_94 : vector<16xi32>
      %add3A_96 = arith.addi %mul3A_95, %get3A_85 : vector<16xi32>
      %min3A = arith.minsi %add3A_93, %add3A_96 : vector<16xi32>
      %min3A_97 = arith.minsi %scan3A_81, %min3A : vector<16xi32>
      scf.yield %min3A_97 : vector<16xi32>
    }
    %scan3A_70 = arith.constant 625 : i32
    %swap3A_71 = arith.constant 0 : index
    %swap3A_72 = tpu.vector_load %arg7[%swap3A_71] {strides = array<i32>} : memref<16xi32, #tpu.memory_space<vmem>>, vector<16xi32>,
    %swap3A_73 = vector.shape_cast %swap3A_72 : vector<16xi32> to vector<16xi32>
    %swap3A_74 = vector.shape_cast %scan3A_69 : vector<16xi32> to vector<16xi32>
    tpu.vector_store %arg7[%swap3A_71], %swap3A_74 {strides = array<i32>} : memref<16xi32, #tpu.memory_space<vmem>>, vector<16xi32>,
    "tpu.region"() ({
      %run_scoped3A = tpu.sem_alloc : memref<!tpu.dma_semaphore, #tpu.memory_space<semaphore_mem>>
      %dma_start3A = arith.constant 0 : i32
      %dma_start3A_80 = tpu.memref_slice %arg11[%arg1, %dma_start3A] : memref<16x16xi32, #tpu.memory_space<vmem_shared>> -> memref<1x16xi32, #tpu.memory_space<vmem_shared>>
      %dma_start3A_81 = tpu.memref_squeeze %dma_start3A_80 : memref<1x16xi32, #tpu.memory_space<vmem_shared>> -> memref<16xi32, #tpu.memory_space<vmem_shared>>
      %dma_start3A_82 = arith.constant 0 : i32
      %dma_start3A_83 = tpu.memref_slice %arg11[%arg1, %dma_start3A_82] : memref<16x16xi32, #tpu.memory_space<vmem_shared>> -> memref<1x16xi32, #tpu.memory_space<vmem_shared>>
      %dma_start3A_84 = tpu.memref_squeeze %dma_start3A_83 : memref<1x16xi32, #tpu.memory_space<vmem_shared>> -> memref<16xi32, #tpu.memory_space<vmem_shared>>
      tpu.enqueue_dma source(%arg7 : memref<16xi32, #tpu.memory_space<vmem>>) target(%dma_start3A_84 : memref<16xi32, #tpu.memory_space<vmem_shared>>) target_semaphore(%run_scoped3A : memref<!tpu.dma_semaphore, #tpu.memory_space<semaphore_mem>>)
      %dma_wait3A = arith.constant 0 : i32
      %dma_wait3A_85 = tpu.memref_slice %arg11[%arg1, %dma_wait3A] : memref<16x16xi32, #tpu.memory_space<vmem_shared>> -> memref<1x16xi32, #tpu.memory_space<vmem_shared>>
      %dma_wait3A_86 = tpu.memref_squeeze %dma_wait3A_85 : memref<1x16xi32, #tpu.memory_space<vmem_shared>> -> memref<16xi32, #tpu.memory_space<vmem_shared>>
      %dma_wait3A_87 = arith.constant 0 : i32
      %dma_wait3A_88 = tpu.memref_slice %arg11[%arg1, %dma_wait3A_87] : memref<16x16xi32, #tpu.memory_space<vmem_shared>> -> memref<1x16xi32, #tpu.memory_space<vmem_shared>>
      %dma_wait3A_89 = tpu.memref_squeeze %dma_wait3A_88 : memref<1x16xi32, #tpu.memory_space<vmem_shared>> -> memref<16xi32, #tpu.memory_space<vmem_shared>>
      tpu.wait_dma2 semaphore(%run_scoped3A : memref<!tpu.dma_semaphore, #tpu.memory_space<semaphore_mem>>) src(%arg7 : memref<16xi32, #tpu.memory_space<vmem>>) dst(%dma_wait3A_89 : memref<16xi32, #tpu.memory_space<vmem_shared>>)
      tpu.yield
    }) : () -> ()
    %barrier3A_75 = arith.constant 0 : index
    tpu.barrier barrier_id(%barrier3A_75)
    %eq3A = arith.constant 0 : i32
    %eq3A_76 = arith.cmpi eq, %arg0, %eq3A : i32
    %eq3A_77 = arith.constant 0 : i32
    %eq3A_78 = arith.cmpi eq, %arg1, %eq3A_77 : i32
    %and3A = arith.andi %eq3A_76, %eq3A_78 : i1
    %convert_element_type3A = arith.extui %and3A : i1 to i32
    %cond3A = arith.constant 0 : i32
    %cond3A_79 = arith.cmpi ne, %convert_element_type3A, %cond3A : i32
    scf.if %cond3A_79 {
      "tpu.region"() ({
        %run_scoped3A = tpu.sem_alloc : memref<!tpu.dma_semaphore, #tpu.memory_space<semaphore_mem>>
        tpu.enqueue_dma source(%arg11 : memref<16x16xi32, #tpu.memory_space<vmem_shared>>) target(%arg8 : memref<16x16xi32, #tpu.memory_space<vmem>>) target_semaphore(%run_scoped3A : memref<!tpu.dma_semaphore, #tpu.memory_space<semaphore_mem>>)
        tpu.wait_dma2 semaphore(%run_scoped3A : memref<!tpu.dma_semaphore, #tpu.memory_space<semaphore_mem>>) src(%arg11 : memref<16x16xi32, #tpu.memory_space<vmem_shared>>) dst(%arg8 : memref<16x16xi32, #tpu.memory_space<vmem>>)
        tpu.yield
      }) : () -> ()
      %broadcast_in_dim3A_80 = arith.constant 2147483647 : i32
      %broadcast_in_dim3A_81 = vector.broadcast %broadcast_in_dim3A_80 : i32 to vector<16xi32>
      %scan3A_82 = arith.constant 0 : i32
      %scan3A_83 = arith.constant 16 : i32
      %scan3A_84 = arith.addi %scan3A_82, %scan3A_83 : i32
      %scan3A_85 = arith.constant 1 : i32
      %scan3A_86 = scf.for %scan3A_147 = %scan3A_82 to %scan3A_84 step %scan3A_85 iter_args(%scan3A_148 = %broadcast_in_dim3A_81) -> (vector<16xi32>)  : i32 {
        %get3A = arith.index_cast %scan3A_147 : i32 to index
        %get3A_149 = arith.constant 0 : index
        %get3A_150 = tpu.vector_load %arg8[%get3A, %get3A_149] {strides = array<i32>} : memref<16x16xi32, #tpu.memory_space<vmem>>, vector<1x16xi32>,
        %get3A_151 = vector.shape_cast %get3A_150 : vector<1x16xi32> to vector<16xi32>
        %min3A_152 = arith.minsi %scan3A_148, %get3A_151 : vector<16xi32>
        scf.yield %min3A_152 : vector<16xi32>
      }
      %scan3A_87 = arith.constant 16 : i32
      %slice3A_88 = vector.extract_strided_slice %scan3A_86 {offsets = [0], sizes = [1], strides = [1]} : vector<16xi32> to vector<1xi32>
      %squeeze3A_89 = vector.extract %slice3A_88[0] : i32 from vector<1xi32>
      %slice3A_90 = vector.extract_strided_slice %scan3A_86 {offsets = [1], sizes = [1], strides = [1]} : vector<16xi32> to vector<1xi32>
      %squeeze3A_91 = vector.extract %slice3A_90[0] : i32 from vector<1xi32>
      %min3A = arith.minsi %squeeze3A_89, %squeeze3A_91 : i32
      %slice3A_92 = vector.extract_strided_slice %scan3A_86 {offsets = [2], sizes = [1], strides = [1]} : vector<16xi32> to vector<1xi32>
      %squeeze3A_93 = vector.extract %slice3A_92[0] : i32 from vector<1xi32>
      %min3A_94 = arith.minsi %min3A, %squeeze3A_93 : i32
      %slice3A_95 = vector.extract_strided_slice %scan3A_86 {offsets = [3], sizes = [1], strides = [1]} : vector<16xi32> to vector<1xi32>
      %squeeze3A_96 = vector.extract %slice3A_95[0] : i32 from vector<1xi32>
      %min3A_97 = arith.minsi %min3A_94, %squeeze3A_96 : i32
      %slice3A_98 = vector.extract_strided_slice %scan3A_86 {offsets = [4], sizes = [1], strides = [1]} : vector<16xi32> to vector<1xi32>
      %squeeze3A_99 = vector.extract %slice3A_98[0] : i32 from vector<1xi32>
      %min3A_100 = arith.minsi %min3A_97, %squeeze3A_99 : i32
      %slice3A_101 = vector.extract_strided_slice %scan3A_86 {offsets = [5], sizes = [1], strides = [1]} : vector<16xi32> to vector<1xi32>
      %squeeze3A_102 = vector.extract %slice3A_101[0] : i32 from vector<1xi32>
      %min3A_103 = arith.minsi %min3A_100, %squeeze3A_102 : i32
      %slice3A_104 = vector.extract_strided_slice %scan3A_86 {offsets = [6], sizes = [1], strides = [1]} : vector<16xi32> to vector<1xi32>
      %squeeze3A_105 = vector.extract %slice3A_104[0] : i32 from vector<1xi32>
      %min3A_106 = arith.minsi %min3A_103, %squeeze3A_105 : i32
      %slice3A_107 = vector.extract_strided_slice %scan3A_86 {offsets = [7], sizes = [1], strides = [1]} : vector<16xi32> to vector<1xi32>
      %squeeze3A_108 = vector.extract %slice3A_107[0] : i32 from vector<1xi32>
      %min3A_109 = arith.minsi %min3A_106, %squeeze3A_108 : i32
      %slice3A_110 = vector.extract_strided_slice %scan3A_86 {offsets = [8], sizes = [1], strides = [1]} : vector<16xi32> to vector<1xi32>
      %squeeze3A_111 = vector.extract %slice3A_110[0] : i32 from vector<1xi32>
      %min3A_112 = arith.minsi %min3A_109, %squeeze3A_111 : i32
      %slice3A_113 = vector.extract_strided_slice %scan3A_86 {offsets = [9], sizes = [1], strides = [1]} : vector<16xi32> to vector<1xi32>
      %squeeze3A_114 = vector.extract %slice3A_113[0] : i32 from vector<1xi32>
      %min3A_115 = arith.minsi %min3A_112, %squeeze3A_114 : i32
      %slice3A_116 = vector.extract_strided_slice %scan3A_86 {offsets = [10], sizes = [1], strides = [1]} : vector<16xi32> to vector<1xi32>
      %squeeze3A_117 = vector.extract %slice3A_116[0] : i32 from vector<1xi32>
      %min3A_118 = arith.minsi %min3A_115, %squeeze3A_117 : i32
      %slice3A_119 = vector.extract_strided_slice %scan3A_86 {offsets = [11], sizes = [1], strides = [1]} : vector<16xi32> to vector<1xi32>
      %squeeze3A_120 = vector.extract %slice3A_119[0] : i32 from vector<1xi32>
      %min3A_121 = arith.minsi %min3A_118, %squeeze3A_120 : i32
      %slice3A_122 = vector.extract_strided_slice %scan3A_86 {offsets = [12], sizes = [1], strides = [1]} : vector<16xi32> to vector<1xi32>
      %squeeze3A_123 = vector.extract %slice3A_122[0] : i32 from vector<1xi32>
      %min3A_124 = arith.minsi %min3A_121, %squeeze3A_123 : i32
      %slice3A_125 = vector.extract_strided_slice %scan3A_86 {offsets = [13], sizes = [1], strides = [1]} : vector<16xi32> to vector<1xi32>
      %squeeze3A_126 = vector.extract %slice3A_125[0] : i32 from vector<1xi32>
      %min3A_127 = arith.minsi %min3A_124, %squeeze3A_126 : i32
      %slice3A_128 = vector.extract_strided_slice %scan3A_86 {offsets = [14], sizes = [1], strides = [1]} : vector<16xi32> to vector<1xi32>
      %squeeze3A_129 = vector.extract %slice3A_128[0] : i32 from vector<1xi32>
      %min3A_130 = arith.minsi %min3A_127, %squeeze3A_129 : i32
      %slice3A_131 = vector.extract_strided_slice %scan3A_86 {offsets = [15], sizes = [1], strides = [1]} : vector<16xi32> to vector<1xi32>
      %squeeze3A_132 = vector.extract %slice3A_131[0] : i32 from vector<1xi32>
      %min3A_133 = arith.minsi %min3A_130, %squeeze3A_132 : i32
      %sub3A = arith.subi %min3A_133, %min3A_133 : i32
      %convert_element_type3A_134 = arith.sitofp %sub3A : i32 to f32
      %mul3A_135 = arith.constant 0.000000e+00 : f32
      %mul3A_136 = arith.mulf %mul3A_135, %convert_element_type3A_134 : f32
      %broadcast_in_dim3A_137 = arith.constant 0.000000e+00 : f32
      %broadcast_in_dim3A_138 = vector.broadcast %broadcast_in_dim3A_137 : f32 to vector<16xf32>
      %add3A_139 = vector.broadcast %mul3A_136 : f32 to vector<16xf32>
      %add3A_140 = arith.addf %broadcast_in_dim3A_138, %add3A_139 : vector<16xf32>
      %scan3A_141 = arith.constant 0 : i32
      %scan3A_142 = arith.constant 0 : i32
      %scan3A_143 = arith.constant 64 : i32
      %scan3A_144 = arith.addi %scan3A_142, %scan3A_143 : i32
      %scan3A_145 = arith.constant 1 : i32
      scf.for %scan3A_147 = %scan3A_142 to %scan3A_144 step %scan3A_145  : i32 {
        %mul3A_148 = arith.constant 16 : i32
        %mul3A_149 = arith.muli %scan3A_147, %mul3A_148 : i32
        %swap3A_150 = arith.index_cast %mul3A_149 : i32 to index
        %swap3A_151 = tpu.vector_load %arg9[%swap3A_150] {strides = array<i32>} : memref<1024xf32, #tpu.memory_space<vmem>>, vector<16xf32>,
        %swap3A_152 = vector.shape_cast %swap3A_151 : vector<16xf32> to vector<16xf32>
        %swap3A_153 = vector.shape_cast %add3A_140 : vector<16xf32> to vector<16xf32>
        tpu.vector_store %arg9[%swap3A_150], %swap3A_153 {strides = array<i32>} : memref<1024xf32, #tpu.memory_space<vmem>>, vector<16xf32>,
      }
      %scan3A_146 = arith.constant 64 : i32
      "tpu.region"() ({
        %run_scoped3A = tpu.sem_alloc : memref<!tpu.dma_semaphore, #tpu.memory_space<semaphore_mem>>
        tpu.enqueue_dma source(%arg9 : memref<1024xf32, #tpu.memory_space<vmem>>) target(%arg4 : memref<1024xf32, #tpu.memory_space<hbm>>) target_semaphore(%run_scoped3A : memref<!tpu.dma_semaphore, #tpu.memory_space<semaphore_mem>>)
        tpu.wait_dma2 semaphore(%run_scoped3A : memref<!tpu.dma_semaphore, #tpu.memory_space<semaphore_mem>>) src(%arg9 : memref<1024xf32, #tpu.memory_space<vmem>>) dst(%arg4 : memref<1024xf32, #tpu.memory_space<hbm>>)
        tpu.yield
      }) : () -> ()
    } else {
    }
    return
  }
}

</mosaic_0001>

<sc_bundles>
// kernel: kernel.3.cloned.1.call-start
scs
__scs_entry_jumppad:
0x0: {  	(pc) =	sbr.rel $0x88, $3  }
0x1: {  	(tag) =	ssettag $0x0;
	lr =	simm.s32 $0x1  }
0x2: {  	[smem:$0x3FA0] =	sst lr;
	_ =	strace $0xD0000000  }
0x3: {  	_ = 	snop  }
0x4: {  	_ = 	snop  }
0x5: {  	_ = 	snop  }
0x6: {  	_ = 	snop  }
0x7: {  	_ = 	snop  }
__scs_overlays_trampoline_lowered:
0x8: {  	[smem:$0x3FAF] =	sst s0  }
0x9: {  	[smem:$0x3FB0] =	sst s1  }
0xa: {  	[smem:$0x3FB1] =	sst s2  }
0xb: {  	[smem:$0x3FB2] =	sst s3  }
0xc: {  	[smem:$0x3FB3] =	sst s4  }
0xd: {  	[smem:$0x3FB4] =	sst s5  }
0xe: {  	[smem:$0x3FB5] =	sst s6  }
0xf: {  	[smem:$0x3FB6] =	sst s7  }
0x10: {  	[smem:$0x3FB7] =	sst s8  }
0x11: {  	[smem:$0x3FB8] =	sst s9;
	s0 =	simm.s32 @!p0 $0x0  }
0x12: {  	s1 =	sld [smem:$0x3F9E];
	s0 =	simm.s32 @p0 $0x1  }
0x13: {  	[smem:$0x3FB9] =	sst s0;
	s0 =	simm.s32 @!p1 $0x0  }
0x14: {  	s2 =	sld [smem:$0x3F9D];
	s0 =	simm.s32 @p1 $0x1  }
0x15: {  	[smem:$0x3FBA] =	sst s0;
	s0 =	simm.s32 @!p2 $0x0  }
0x16: {  	s3 =	sld [smem:$0x3FDB];
	s0 =	simm.s32 @p2 $0x1  }
0x17: {  	s4 =	simm.s32 $0x1BF5;
	[smem:$0x3FBC] =	sst s0  }
0x18: {  	s0 =	sld [smem:$0x3F9F];
	_ =	swait.ge [sflag:s4], $0x0  }
0x19: {  	s7 =	sld [smem:$0x3FA0]  }
0x1a: {  	s8 =	sadd.s32 $0xFFFFE003, lr  }
0x1b: {  	s9 =	sadd.s32 $0xFFFFFEF7, lr;
	s5 =	simm.s32 $0xFFFFFFFF;
	p2 =	slt.u32 s8, $0xFFFFF086  }
0x1c: {  	p1 =	slt.u32 s9, $0xF7A;
	s5 =	simm.s32 @!p2 $0x0  }
0x1d: {  	s5 =	simm.s32 @p1 $0x1;
	p0 =	seq.s32 s7, s2  }
0x1e: {  	s7 =	smul.u32 @!p0 $0xF7A, s2;
	p2 =	seq.s32 @!p0 s5, $0x0  }
0x1f: {  	s9 =	smul.u32 $0xF7A, s1;
	s8 =	simm.s32 @!p0 $0x1BF5;
	p2 =	por !p2, p0  }
0x20: {  	[sflag:s8] =	ssyncset.s32 @!p0 $0xFFFFF086;
	s6 =	sadd.s32 @!p0 s3, s7;
	s7 =	simm.s32 @!p0 $0x108  }
0x21: {  	s3 =	sadd.s32 s3, s9;
	s6 =	sadd.s32 @!p0 $0x88, s6;
	s7 =	simm.s32 @p2 $0x1082  }
0x22: {  	[simem:s7], [sflag:s8] =	dma.local @!p0 [hbm:s6], $0xF7A  }
0x23: {  	s9 =	sor.u32 $0xD0000000, s2;
	s6 =	simm.s32 $0x108;
	_ =	swait.ge @!p0 [sflag:s8], $0x0  }
0x24: {  	s3 =	sadd.s32 $0x88, s3;
	s6 =	simm.s32 @!p1 $0x1082;
	[sflag:s4] =	ssyncset.s32 $0xFFFFF086  }
0x25: {  	[simem:s6], [sflag:s4] =	dma.local [hbm:s3], $0xF7A  }
0x26: {  	[smem:$0x3FA0] =	sst s1;
	(tag) =	ssettag s2;
	_ =	strace s9  }
0x27: {  	s1 =	sld [smem:$0x3FB0]  }
0x28: {  	s2 =	sld [smem:$0x3FB1]  }
0x29: {  	s4 =	sld [smem:$0x3FB3]  }
0x2a: {  	p0 =	seq.s32 s5, $0x0;
	s5 =	sld [smem:$0x3FB4]  }
0x2b: {  	s6 =	sld [smem:$0x3FB5]  }
0x2c: {  	s7 =	sld [smem:$0x3FB6]  }
0x2d: {  	s3 =	simm.s32 $0x108;
	s8 =	sld [smem:$0x3FB7]  }
0x2e: {  	s3 =	simm.s32 @!p0 $0x1082;
	s9 =	sld [smem:$0x3FB8]  }
0x2f: {  	lr =	sadd.s32 s0, s3;
	s0 =	sld [smem:$0x3FAF]  }
0x30: {  	s3 =	sld [smem:$0x3FB2]  }
0x31: {  	[smem:$0x3FBB] =	sst s10  }
0x32: {  	s10 =	sld [smem:$0x3FB9];
	_ =	sdelay $0x3  }
0x33: {  	p0 =	seq.s32 s10, $0x1;
	s10 =	sld [smem:$0x3FBB];
	_ =	sdelay $0x3  }
0x34: {  	[smem:$0x3FBB] =	sst s10  }
0x35: {  	s10 =	sld [smem:$0x3FBA];
	_ =	sdelay $0x3  }
0x36: {  	p1 =	seq.s32 s10, $0x1;
	s10 =	sld [smem:$0x3FBB];
	_ =	sdelay $0x3  }
0x37: {  	[smem:$0x3FBB] =	sst s10  }
0x38: {  	s10 =	sld [smem:$0x3FBC]  }
0x39: {  	_ = 	snop;
	(pc) =	sbr.ind lr, $3  }
0x3a: {  	_ = 	snop  }
0x3b: {  	_ = 	snop  }
0x3c: {  	p2 =	seq.s32 s10, $0x1;
	s10 =	sld [smem:$0x3FBB]  }
0x3d: {  	_ =	shalt  }
0x3e: {  	_ =	shalt  }
0x3f: {  	_ =	shalt  }
0x40: {  	_ =	shalt  }
0x41: {  	_ =	shalt  }
0x42: {  	_ =	shalt  }
0x43: {  	_ =	shalt  }
0x44: {  	_ =	shalt  }
0x45: {  	_ =	shalt  }
0x46: {  	_ =	shalt  }
0x47: {  	_ =	shalt  }
0x48: {  	_ =	shalt  }
0x49: {  	_ =	shalt  }
0x4a: {  	_ =	shalt  }
0x4b: {  	_ =	shalt  }
0x4c: {  	_ =	shalt  }
0x4d: {  	_ =	shalt  }
0x4e: {  	_ =	shalt  }
0x4f: {  	_ =	shalt  }
0x50: {  	_ =	shalt  }
0x51: {  	_ =	shalt  }
0x52: {  	_ =	shalt  }
0x53: {  	_ =	shalt  }
0x54: {  	_ =	shalt  }
0x55: {  	_ =	shalt  }
0x56: {  	_ =	shalt  }
0x57: {  	_ =	shalt  }
0x58: {  	_ =	shalt  }
0x59: {  	_ =	shalt  }
0x5a: {  	_ =	shalt  }
0x5b: {  	_ =	shalt  }
0x5c: {  	_ =	shalt  }
0x5d: {  	_ =	shalt  }
0x5e: {  	_ =	shalt  }
0x5f: {  	_ =	shalt  }
0x60: {  	_ =	shalt  }
0x61: {  	_ =	shalt  }
0x62: {  	_ =	shalt  }
0x63: {  	_ =	shalt  }
0x64: {  	_ =	shalt  }
0x65: {  	_ =	shalt  }
0x66: {  	_ =	shalt  }
0x67: {  	_ =	shalt  }
0x68: {  	_ =	shalt  }
0x69: {  	_ =	shalt  }
0x6a: {  	_ =	shalt  }
0x6b: {  	_ =	shalt  }
0x6c: {  	_ =	shalt  }
0x6d: {  	_ =	shalt  }
0x6e: {  	_ =	shalt  }
0x6f: {  	_ =	shalt  }
0x70: {  	_ =	shalt  }
0x71: {  	_ =	shalt  }
0x72: {  	_ =	shalt  }
0x73: {  	_ =	shalt  }
0x74: {  	_ =	shalt  }
0x75: {  	_ =	shalt  }
0x76: {  	_ =	shalt  }
0x77: {  	_ =	shalt  }
0x78: {  	_ =	shalt  }
0x79: {  	_ =	shalt  }
0x7a: {  	_ =	shalt  }
0x7b: {  	_ =	shalt  }
0x7c: {  	_ =	shalt  }
0x7d: {  	_ =	shalt  }
0x7e: {  	_ =	shalt  }
0x7f: {  	_ =	shalt  }
0x80: {  	_ =	shalt  }
0x81: {  	_ =	shalt  }
0x82: {  	_ =	shalt  }
0x83: {  	_ =	shalt  }
0x84: {  	_ =	shalt  }
0x85: {  	_ =	shalt  }
0x86: {  	_ =	shalt  }
0x87: {  	_ =	shalt  }
.Lfunc_end0:
.L_simem_size_0:
called_computation_lowered:
.L_overlay_start_0:
0x88: {  	s2 =	sld [smem:$0x3FD9]  }
0x89: {  	s3 =	sld [smem:$0x3FFE];
	_ =	sdelay $0x1  }
0x8a: {  	s1 =	srdreg.scid  }
0x8b: {  	s0 =	sand.u32 $0x1, s1  }
0x8c: {  	s17 =	sshll.u32 s0, $0xA;
	s2 =	sadd.s32 s3, s2  }
0x8d: {  	s2 =	sadd.s32 s2, s17  }
0x8e: {  	[smem:$0x3FC7] =	sst s2  }
0x8f: {  	_ = 	snop  }
0x90: {  	s2 =	sld [smem:$0x3FD0];
	(tm) =	ssettm $0x1  }
0x91: {  	s18 =	sld [smem:$0x3FFB];
	_ =	sdelay $0x3  }
0x92: {  	_ =	strace s18  }
0x93: {  	s3 =	sld [smem:$0x3FFC];
	_ =	sdelay $0x3  }
0x94: {  	_ =	strace s3  }
0x95: {  	s3 =	sld [smem:$0x3FFD];
	_ =	sdelay $0x3  }
0x96: {  	_ =	strace s3  }
0x97: {  	_ =	strace $0x8FFFFFFF  }
0x98: {  	s19 =	sld [smem:$0x3FDB];
	_ =	sdelay $0x1  }
0x99: {  	s4 =	simm.s32 $_scs_section_size  }
0x9a: {  	s5 =	simm.s32 $_size__tile_overlayer_lowered;
	s6 =	simm.s32 $_tile_overlayer_lowered  }
0x9b: {  	s22 =	simm.s32 $0x1BFF;
	s21 =	sshll.u32 s6, $0x1;
	s3 =	sadd.s32 s4, s19  }
0x9c: {  	s7 =	simm.s32 $0x0;
	s20 =	sshll.u32 s5, $0x1;
	s5 =	sadd.s32 s21, s3  }
0x9d: {  	[timem:s7], [sflag:s22] =	dma.local [hbm:s5], s20  }
0x9e: {  	_ =	swait.ge [sflag:s22], s20  }
0x9f: {  	s4 =	ssub.s32 $0x0, s20;
	[sflag:s22] =	ssyncset.done $0x0  }
0xa0: {  	[sflag:s22] =	ssyncadd.s32 s4;
	_ =	sdelay $0x1  }
0xa1: {  	s23 =	simm.s32 $0x1B8B  }
0xa2: {  	_ =	swait.ge [sflag:s23], $0x1  }
0xa3: {  	[sflag:s23] =	ssyncset.done $0x0  }
0xa4: {  	s25 =	simm.s32 $0x1B8E;
	s24 =	sld [smem:$0x3FFE];
	[sflag:s23] =	ssyncadd.s32 $0xFFFFFFFF  }
0xa5: {  	s26 =	simm.s32 $execute0_lowered;
	[smem:$0x3FD2] =	sst s25  }
0xa6: {  	s5 =	sshll.u32 s26, $0x1;
	_ =	strace $0x80000046;
	[dreg:$0x1] =	wrdreg $0xFFFFFFFF  }
0xa7: {  	s28 =	simm.s32 $_size_execute0_lowered;
	s3 =	sadd.s32 s3, s5;
	[dreg:$0x0] =	wrdreg $0x0  }
0xa8: {  	s5 =	sshll.u32 s28, $0x1;
	[dreg:$0x2] =	wrdreg s3  }
0xa9: {  	[dreg:$0x3] =	wrdreg s5  }
0xaa: {  	[dreg:$0x4] =	wrdreg $0xC0  }
0xab: {  	_ =	task [dreg:s7], $0x5FFFF  }
0xac: {  	[dreg:$0x1] =	wrdreg $0xFFFFFFFF  }
0xad: {  	[dreg:$0x0] =	wrdreg $0x60  }
0xae: {  	[dreg:$0x2] =	wrdreg s24  }
0xaf: {  	[dreg:$0x3] =	wrdreg s2  }
0xb0: {  	[dreg:$0x4] =	wrdreg $0x5B800  }
0xb1: {  	[dreg:$0x5] =	wrdreg $0x5B900  }
0xb2: {  	[dreg:$0x6] =	wrdreg $0x9  }
0xb3: {  	_ =	task.clear_ibuf [dreg:s7], $0x7FFFF;
	_ =	strace $0x90000046  }
0xb4: {  	s29 =	simm.s32 $0x9;
	_ =	strace $0x80000048  }
0xb5: {  	_ =	swait.ge [sflag:s29], $0x1  }
0xb6: {  	[sflag:s29] =	ssyncadd.s32 $0xFFFFFFFF  }
0xb7: {  	_ =	strace $0x90000048  }
0xb8: {  	_ =	sfence  }
0xb9: {  	s30 =	sld [smem:$0x0];
	_ =	sdelay $0x2  }
0xba: {  	s31 =	sshll.u32 s1, $0xD;
	s1 =	sshrl.u32 s1, $0x2  }
0xbb: {  	s3 =	sand.u32 $0x4000, s31;
	s1 =	sadd.s32 s1, s30  }
0xbc: {  	s0 =	sor.u32 s3, s0;
	s1 =	sshll.u32 s1, $0x11  }
0xbd: {  	s0 =	sor.u32 s1, s0  }
0xbe: {  	s0 =	sadd.s32 $0x8F2B, s0  }
0xbf: {  	[sflag:s0] =	ssyncadd.remote.s32 $0x1  }
0xc0: {  	_ =	sfence.sel $0xFFFF  }
0xc1: {  	[dreg:$0x0] =	wrdreg $0xFFFFFFFF;
	(pc) =	sbr.abs _section_cstart, $3  }
0xc2: {  	[dreg:$0x1] =	wrdreg $0xFFFFFFFF  }
0xc3: {  	_ =	task.clear_ibuf [dreg:s7], $0x2FFFF;
	_ =	strace $0x9FFFFFFF  }
0xc4: {  	(tm) =	ssettm $0x7FFFFFFF  }
0xc5: {  	_ =	shalt  }
tec
execute0_lowered:
.L_overlay_start_1:
0x0: {  	(tag) =	ssettag $0x1  }
0x1: {  	s6 =	rddreg [dreg:$0x0]  }
0x2: {  	s1 =	rddreg [dreg:$0x1]  }
0x3: {  	s2 =	rddreg [dreg:$0x2]  }
0x4: {  	s4 =	rddreg [dreg:$0x3]  }
0x5: {  	s0 =	rddreg [dreg:$0x4];
	s7 =	srdreg.scid  }
0x6: {  	s5 =	simm.s32 $0x0;
	s3 =	stileid.u32;
	s12 =	simm.s32 $0x2780  }
0x7: {  	s13 =	simm.s32 $0x4F00;
	s14 =	simm.s32 $0x4F80;
	s16 =	simm.s32 $0x0  }
0x8: {  	s10 =	sand.u32 $0x1, s7;
	[smem:$0x7FF] =	sst s5;
	s8 =	smul.u32 $0x4E2, s3  }
.Ltmp0:
0x9: {  	s31 =	sshll.u32 s3, $0x7;
	s7 =	ssub.s32 $0x2, s10;
	(pc) =	sbr.rel .LBB2_1-.Ltmp0, $4  }
0xa: {  	_ =	strace $0x80000047;
	s15 =	sor.u32 s3, s10;
	s9 =	sshrl.u32 s7, $0x1  }
0xb: {  	s6 =	sadd.s32 s6, s8;
	s8 =	sadd.s32 s31, s2;
	p0 =	sne.s32 s15, $0x0  }
0xc: {  	s15 =	simm.s32 $0x5780;
	s11 =	ssub.s32 s7, s9;
	s7 =	sadd.s32 $0x5000, s6  }
0xd: {  	v0 =	vimm.f32 $0.0e+00;
	s9 =	sadd.s32 s31, s4;
	s10 =	smax.u32 s11, $0x1;
	s11 =	simm.s32 $0x1  }
.LBB2_8:
0xe: {  	[tilespmem:s18+$0x5780] =	vst v0  }
0xf: {  	[hbm4b:s1+s5] =	stream.linear.scatter [tilespmem:s15], [sflag:$0x1], $0x400, $0x38;
	[tilespmem:$0x5BA0] =	vst v63  }
0x10: {  	_ =	swait.ge [sflag:s11], $0x400  }
0x11: {  	[sflag:s11] =	ssyncset.done $0x0  }
0x12: {  	[sflag:s11] =	ssyncadd.s32 $0xFFFFFC00  }
.LBB2_9:
0x13: {  	s16 =	sadd.s32 $0x1, s16  }
0x14: {  	p1 =	sne.s32 s16, s10  }
.Ltmp1:
0x15: {  	_ = 	snop;
	(pc) =	sbr.rel @!p1 .LBB2_10-.Ltmp1, $1  }
0x16: {  	_ =	sdelay $0x3  }
.LBB2_1:
0x17: {  	[tilespmem:s5], [sflag:$0x1] =	stream.linear.gather [hbm4b:s7+s5], $0x2710, $0x38;
	[tilespmem:$0x5BA0] =	vst v63  }
0x18: {  	_ =	swait.ge [sflag:s11], $0x2710  }
0x19: {  	[sflag:s11] =	ssyncset.done $0x0  }
0x1a: {  	[sflag:s11] =	ssyncadd.s32 $0xFFFFD8F0  }
0x1b: {  	[tilespmem:s12], [sflag:$0x1] =	stream.linear.gather [hbm4b:s6+s5], $0x2710, $0x38;
	[tilespmem:$0x5BA0] =	vst v63  }
0x1c: {  	_ =	swait.ge [sflag:s11], $0x2710  }
0x1d: {  	[sflag:s11] =	ssyncset.done $0x0  }
0x1e: {  	s18 =	simm.s32 $0x0;
	[sflag:s11] =	ssyncadd.s32 $0xFFFFD8F0  }
0x1f: {  	v1 =	vimm.s32 $0x80000000;
	s17 =	simm.s32 $0x40;
	v2 =	vld [tilespmem:s18+$0x0]  }
.LBB2_2:
0x20: {  	p1 =	sne.s32 s17, $0x9C00  }
.Ltmp2:
0x21: {  	_ = 	snop;
	(pc) =	sbr.rel @p1 .LBB2_2-.Ltmp2, $3  }
0x22: {  	_ =	sdelay $0x1  }
0x23: {  	s18 =	sshra.s32 s17, $0x2;
	s17 =	sadd.s32 $0x40, s17;
	vm0 =	vgt.s32 v1, v2  }
0x24: {  	v1 =	vsel vm0, v1, v2;
	v2 =	vld [tilespmem:s18+$0x0]  }
0x25: {  	_ =	sdelay $0x3  }
0x26: {  	vm0 =	vgt.s32 v1, v2  }
0x27: {  	v1 =	vsel vm0, v1, v2  }
0x28: {  	[tilespmem:$0x4F00] =	vst v1  }
0x29: {  	[spmem:s8] =	stream.linear.scatter [tilespmem:s13], [sflag:$0x1], $0x80, $0x38;
	[tilespmem:$0x5BA0] =	vst v63  }
0x2a: {  	_ =	swait.ge [sflag:s11], $0x80  }
0x2b: {  	[sflag:s11] =	ssyncset.done $0x0  }
0x2c: {  	[sflag:s11] =	ssyncadd.s32 $0xFFFFFF80  }
0x2d: {  	[bflag:$0x0] =	sbarrier.arrive $0xFFFF  }
0x2e: {  	[tilespmem:s14], [sflag:$0x1] =	stream.linear.gather [spmem:s2], $0x800, $0x38;
	[tilespmem:$0x5BA0] =	vst v63  }
0x2f: {  	_ =	swait.ge [sflag:s11], $0x800  }
0x30: {  	[sflag:s11] =	ssyncset.done $0x0  }
0x31: {  	[sflag:s11] =	ssyncadd.s32 $0xFFFFF800  }
0x32: {  	v1 =	vld [tilespmem:$0x4F80]  }
0x33: {  	v2 =	vld [tilespmem:$0x5000];
	_ =	sdelay $0x1  }
0x34: {  	v3 =	vld [tilespmem:$0x5080];
	_ =	sdelay $0x1  }
0x35: {  	v4 =	vld [tilespmem:$0x5100]  }
0x36: {  	vm14 =	vgt.s32 v1, v2  }
0x37: {  	v1 =	vsel vm14, v1, v2;
	v2 =	vld [tilespmem:$0x5180]  }
0x38: {  	vm0 =	vgt.s32 v1, v3  }
0x39: {  	v1 =	vsel vm0, v1, v3;
	v3 =	vld [tilespmem:$0x5200]  }
0x3a: {  	vm0 =	vgt.s32 v1, v4  }
0x3b: {  	v1 =	vsel vm0, v1, v4;
	v4 =	vld [tilespmem:$0x5280]  }
0x3c: {  	vm0 =	vgt.s32 v1, v2  }
0x3d: {  	v1 =	vsel vm0, v1, v2;
	v2 =	vld [tilespmem:$0x5300]  }
0x3e: {  	vm0 =	vgt.s32 v1, v3  }
0x3f: {  	v1 =	vsel vm0, v1, v3;
	v3 =	vld [tilespmem:$0x5380]  }
0x40: {  	vm0 =	vgt.s32 v1, v4  }
0x41: {  	v1 =	vsel vm0, v1, v4;
	v4 =	vld [tilespmem:$0x5400]  }
0x42: {  	vm0 =	vgt.s32 v1, v2  }
0x43: {  	v1 =	vsel vm0, v1, v2;
	v2 =	vld [tilespmem:$0x5480]  }
0x44: {  	vm0 =	vgt.s32 v1, v3  }
0x45: {  	v1 =	vsel vm0, v1, v3;
	v3 =	vld [tilespmem:$0x5500]  }
0x46: {  	vm0 =	vgt.s32 v1, v4  }
0x47: {  	v1 =	vsel vm0, v1, v4;
	v4 =	vld [tilespmem:$0x5580]  }
0x48: {  	vm0 =	vgt.s32 v1, v2  }
0x49: {  	v1 =	vsel vm0, v1, v2;
	v2 =	vld [tilespmem:$0x5600]  }
0x4a: {  	vm0 =	vgt.s32 v1, v3  }
0x4b: {  	v1 =	vsel vm0, v1, v3;
	v3 =	vld [tilespmem:$0x5680]  }
0x4c: {  	vm0 =	vgt.s32 v1, v4  }
0x4d: {  	v1 =	vsel vm0, v1, v4;
	v4 =	vld [tilespmem:$0x5700]  }
0x4e: {  	vm0 =	vgt.s32 v1, v2  }
0x4f: {  	v1 =	vsel vm0, v1, v2  }
0x50: {  	vm0 =	vgt.s32 v1, v3  }
0x51: {  	v1 =	vsel vm0, v1, v3  }
0x52: {  	vm0 =	vgt.s32 v1, v4  }
0x53: {  	v1 =	vsel vm0, v1, v4  }
0x54: {  	(v2sf) =	vpush v1, $0x0  }
0x55: {  	(v2sf) =	vpush v1, $0x1;
	_ =	sdelay $0x1  }
0x56: {  	(v2sf) =	vpush v1, $0x2;
	_ =	sdelay $0x1  }
0x57: {  	(v2sf) =	vpush v1, $0x3;
	_ =	sdelay $0x1  }
0x58: {  	(v2sf) =	vpush v1, $0x4;
	_ =	sdelay $0x1  }
0x59: {  	(v2sf) =	vpush v1, $0x5;
	_ =	sdelay $0x1  }
0x5a: {  	(v2sf) =	vpush v1, $0x6;
	_ =	sdelay $0x1  }
0x5b: {  	(v2sf) =	vpush v1, $0x7;
	_ =	sdelay $0x1  }
0x5c: {  	s17 =	spop (v2sf);
	(v2sf) =	vpush v1, $0x8  }
0x5d: {  	s18 =	spop (v2sf)  }
0x5e: {  	(v2sf) =	vpush v1, $0x9;
	p1 =	sgt.s32 s17, s18  }
0x5f: {  	s18 =	smov.u32 @p1 s17;
	s17 =	spop (v2sf)  }
0x60: {  	(v2sf) =	vpush v1, $0xA;
	p1 =	sgt.s32 s18, s17  }
0x61: {  	s17 =	smov.u32 @p1 s18;
	s18 =	spop (v2sf)  }
0x62: {  	(v2sf) =	vpush v1, $0xB;
	p1 =	sgt.s32 s17, s18  }
0x63: {  	s18 =	smov.u32 @p1 s17;
	s17 =	spop (v2sf)  }
0x64: {  	(v2sf) =	vpush v1, $0xC;
	p1 =	sgt.s32 s18, s17  }
0x65: {  	s17 =	smov.u32 @p1 s18;
	s18 =	spop (v2sf)  }
0x66: {  	(v2sf) =	vpush v1, $0xD;
	p1 =	sgt.s32 s17, s18  }
0x67: {  	s18 =	smov.u32 @p1 s17;
	s17 =	spop (v2sf)  }
0x68: {  	(v2sf) =	vpush v1, $0xE;
	p1 =	sgt.s32 s18, s17  }
0x69: {  	s17 =	smov.u32 @p1 s18;
	s18 =	spop (v2sf)  }
0x6a: {  	(v2sf) =	vpush v1, $0xF;
	p1 =	sgt.s32 s17, s18  }
0x6b: {  	s19 =	spop (v2sf);
	s18 =	smov.u32 @p1 s17  }
0x6c: {  	p1 =	sgt.s32 s18, s19  }
0x6d: {  	s17 =	spop (v2sf);
	s19 =	smov.u32 @p1 s18  }
0x6e: {  	p1 =	sgt.s32 s19, s17  }
0x6f: {  	s18 =	spop (v2sf);
	s17 =	smov.u32 @p1 s19  }
0x70: {  	p1 =	sgt.s32 s17, s18  }
0x71: {  	s19 =	spop (v2sf);
	s18 =	smov.u32 @p1 s17  }
0x72: {  	p1 =	sgt.s32 s18, s19  }
0x73: {  	s17 =	spop (v2sf);
	s19 =	smov.u32 @p1 s18  }
0x74: {  	p1 =	sgt.s32 s19, s17  }
0x75: {  	s18 =	spop (v2sf);
	s17 =	smov.u32 @p1 s19  }
0x76: {  	p1 =	sgt.s32 s17, s18  }
0x77: {  	s19 =	spop (v2sf);
	s18 =	smov.u32 @p1 s17  }
0x78: {  	s30 =	simm.s32 $0x0;
	p1 =	sgt.s32 s18, s19  }
0x79: {  	v2 =	vld [tilespmem:s30+$0x0];
	s17 =	spop (v2sf);
	s19 =	smov.u32 @p1 s18  }
0x7a: {  	p1 =	sgt.s32 s19, s17  }
0x7b: {  	v3 =	vld [tilespmem:s30+$0x2780];
	s17 =	smov.u32 @p1 s19  }
0x7c: {  	s17 =	sadd.s32 $0x1, s17  }
0x7d: {  	v1 =	vmov s17  }
0x7e: {  	v4 =	vmul.u32 v1, v2  }
0x7f: {  	s31 =	simm.s32 $0x10  }
0x80: {  	v5 =	vmul.u32 v1, v3;
	v6 =	vadd.s32 v3, v4;
	v3 =	vld [tilespmem:s31+$0x0]  }
0x81: {  	v4 =	vld [tilespmem:s31+$0x2780]  }
0x82: {  	v5 =	vadd.s32 v2, v5  }
0x83: {  	vm15 =	vlt.s32 v6, v5  }
0x84: {  	s17 =	simm.s32 $0x80;
	v2 =	vimm.s32 $0x7FFFFFFF;
	v5 =	vsel vm15, v6, v5  }
.LBB2_4:
0x85: {  	s18 =	sshra.s32 s17, $0x2;
	vm0 =	vlt.s32 v2, v5;
	v6 =	vmov v3;
	p1 =	sne.s32 s17, $0x9C00  }
.Ltmp3:
0x86: {  	s17 =	sadd.s32 $0x40, s17;
	v3 =	vld [tilespmem:s18+$0x0];
	v7 =	vmul.u32 v1, v6;
	v8 =	vmul.u32 v1, v4;
	v2 =	vsel vm0, v2, v5;
	v5 =	vmovc v4;
	(pc) =	sbr.rel @p1 .LBB2_4-.Ltmp3, $4  }
0x87: {  	v4 =	vld [tilespmem:s18+$0x2780]  }
0x88: {  	v5 =	vadd.s32 v5, v7;
	v6 =	vadd.s32 v6, v8  }
0x89: {  	vm0 =	vlt.s32 v5, v6  }
0x8a: {  	v5 =	vsel vm0, v5, v6  }
0x8b: {  	_ = 	snop  }
0x8c: {  	v6 =	vmul.u32 v1, v3;
	v1 =	vmul.u32 v1, v4;
	_ =	sdelay $0x1  }
0x8d: {  	v63 =	vadd.s32 v4, v6;
	v1 =	vadd.s32 v3, v1  }
0x8e: {  	vm0 =	vlt.s32 v2, v5;
	vm1 =	vlt.s32 v63, v1  }
0x8f: {  	v2 =	vsel vm0, v2, v5;
	v1 =	vsel vm1, v63, v1  }
0x90: {  	vm0 =	vlt.s32 v2, v1  }
0x91: {  	v1 =	vsel vm0, v2, v1  }
0x92: {  	[tilespmem:$0x4F00] =	vst v1  }
0x93: {  	[spmem:s9] =	stream.linear.scatter [tilespmem:s13], [sflag:$0x1], $0x80, $0x38;
	[tilespmem:$0x5BA0] =	vst v63  }
.Ltmp4:
0x94: {  	_ =	swait.ge [sflag:s11], $0x80;
	(pc) =	sbr.rel @p0 .LBB2_9-.Ltmp4, $3  }
0x95: {  	[sflag:s11] =	ssyncset.done $0x0  }
0x96: {  	[sflag:s11] =	ssyncadd.s32 $0xFFFFFF80  }
0x97: {  	[bflag:$0x0] =	sbarrier.arrive $0xFFFF;
	_ =	sdelay $0x1  }
0x98: {  	[tilespmem:s14], [sflag:$0x1] =	stream.linear.gather [spmem:s4], $0x800, $0x38;
	[tilespmem:$0x5BA0] =	vst v63  }
0x99: {  	_ =	swait.ge [sflag:s11], $0x800  }
0x9a: {  	[sflag:s11] =	ssyncset.done $0x0  }
0x9b: {  	s17 =	simm.s32 $0x40;
	s18 =	simm.s32 $0x0;
	[sflag:s11] =	ssyncadd.s32 $0xFFFFF800  }
.LBB2_7:
0x9c: {  	p1 =	sne.s32 s17, $0xFC0;
	[tilespmem:s18+$0x5780] =	vst v0;
	s18 =	smov.u32 s17;
	s17 =	sadd.s32 $0x40, s17  }
.Ltmp5:
0x9d: {  	(pc) =	sbr.rel @p1 .LBB2_7-.Ltmp5, $2  }
0x9e: {  	_ =	sdelay $0x2  }
0x9f: {  	s18 =	sshra.s32 s18, $0x2  }
.Ltmp6:
0xa0: {  	_ = 	snop;
	(pc) =	sbr.rel .LBB2_8-.Ltmp6, $1  }
0xa1: {  	_ =	sdelay $0x3  }
.LBB2_10:
0xa2: {  	_ =	sfence.sel $0x180000  }
0xa3: {  	[bflag:$0x0] =	sbarrier.arrive $0xFFFF  }
0xa4: {  	p0 =	sne.s32 s3, $0x0;
	_ =	strace $0x90000047  }
0xa5: {  	s0 =	sadd.s32 @!p0 $0x100000, s0;
	[bflag:$0x2] =	sbarrier.arrive $0xFFFF  }
0xa6: {  	[sflag:s0] =	ssyncadd.tile.s32 @!p0 $0x1;
	_ =	shalt  }
.Lfunc_end2:
_tile_overlayer_lowered:
.L_overlay_start_2:
0xa7: {  	(tag) =	ssettag $0x2  }
0xa8: {  	s0 =	rddreg [dreg:$0x0];
	s2 =	stileid.u32  }
0xa9: {  	s1 =	rddreg [dreg:$0x1];
	p0 =	sne.s32 s2, $0x0  }
0xaa: {  	s3 =	rddreg [dreg:$0x2];
	[bflag:$0x3] =	sbarrier.arrive $0xFFFF;
	s2 =	simm.s32 @!p0 $0x1C01  }
0xab: {  	[timem:s3], [sflag:s2] =	dma.local @!p0 [hbm:s0], s1  }
0xac: {  	s0 =	simm.s32 @!p0 $0x1  }
0xad: {  	_ =	swait.ge @!p0 [sflag:s0], s1  }
0xae: {  	s1 =	ssub.s32 @!p0 $0x0, s1;
	[sflag:s0] =	ssyncset.done @!p0 $0x0  }
0xaf: {  	[sflag:s0] =	ssyncadd.s32 @!p0 s1  }
0xb0: {  	[bflag:$0x3] =	sbarrier.arrive $0xFFFF  }
0xb1: {  	_ =	shalt  }

</sc_bundles>
